<compile_context>
chip_gen: v7x
topology: tpu7x:2x2x1
jax: 0.10.2.dev20260603
libtpu: 0.0.44.dev20260713+nightly
codegen_flags: <defaults>
</compile_context>

<pallas_src>
import functools

import jax
import jax.numpy as jnp
from jax.experimental import pallas as pl
from jax.experimental.pallas import tpu as pltpu
from jax.experimental.pallas import tpu_sc as plsc

_LANES = 16
_BLK_ROWS = 32


def _gather_call(seg2d, table):
    rows, cols = seg2d.shape
    num_classes = table.shape[0]
    mesh = plsc.VectorSubcoreMesh(core_axis_name="c", subcore_axis_name="s")

    @functools.partial(
        pl.kernel,
        out_type=jax.ShapeDtypeStruct((rows, cols), jnp.float32),
        mesh=mesh,
        scratch_types=[pltpu.VMEM((num_classes,), jnp.float32)],
        compiler_params=pltpu.CompilerParams(needs_layout_passes=False),
    )
    def gather_kernel(seg_hbm, table_hbm, out_hbm, table_vmem):
        pltpu.sync_copy(table_hbm, table_vmem)

        def body(idx_vmem, out_vmem):
            @plsc.parallel_loop(0, _BLK_ROWS, step=1, unroll=2)
            def _(r):
                @plsc.parallel_loop(0, cols, step=_LANES, unroll=8)
                def _(i):
                    sl = pl.ds(i, _LANES)
                    idx = jnp.minimum(
                        jnp.maximum(idx_vmem[r, sl], 0), num_classes - 1
                    )
                    out_vmem[r, sl] = plsc.load_gather(table_vmem, [idx])

        pltpu.emit_pipeline(
            body,
            grid=(rows // _BLK_ROWS,),
            in_specs=[pl.BlockSpec((_BLK_ROWS, cols), lambda i: (i, 0))],
            out_specs=[pl.BlockSpec((_BLK_ROWS, cols), lambda i: (i, 0))],
            core_axis_name=("c", "s"),
            dimension_semantics=(pltpu.PARALLEL,),
        )(seg_hbm, out_hbm)

    return gather_kernel(seg2d, table)


def kernel(seg, depth, weight_tensor):
    del depth
    b, h, w = seg.shape
    seg2d = seg.astype(jnp.int32).reshape(b * h, w)
    out = _gather_call(seg2d, weight_tensor.astype(jnp.float32))
    return out.reshape(b, h, w)

# --- scband reference (transcript-rebuilt; emitter-appended) ---
"""Pipeline reference for scband-risk-estimation-2757369004309 (READ-ONLY COPY).

The authoritative reference and input builder live on the scoring server;
editing this copy changes nothing except your own understanding.
"""

import jax, jax.numpy as jnp
import numpy as np

NUM_CLASSES = 81  # max(class_weights.keys(), default=80) + 1 with empty dict

def setup_inputs(seed: int = 0) -> dict:
    key = jax.random.key(seed)
    k1, k2 = jax.random.split(key)
    seg = jax.random.randint(k1, (16, 512, 512), 0, 81, dtype=jnp.int32)
    depth = jax.random.uniform(k2, (16, 512, 512), dtype=jnp.float32)
    # buffer built in __init__: zeros of size max_class, filled from class_weights dict ({} here)
    weight_tensor = jnp.zeros((NUM_CLASSES,), dtype=jnp.float32)
    return {"seg": seg, "depth": depth, "weight_tensor": weight_tensor}

def reference(seg, depth, weight_tensor):
    seg = seg.astype(jnp.int32)
    depth = depth.astype(jnp.float32)
    if seg.ndim == 2:
        seg = seg[None]
    if depth.ndim == 2:
        depth = depth[None]
    seg = jnp.clip(seg, 0, weight_tensor.shape[0] - 1)
    weights = jnp.take(weight_tensor, seg, axis=0)  # embedding-style gather [B,H,W]
    if depth.shape[-2:] != seg.shape[-2:]:
        target = seg.shape[-2:]
        d = depth[:, None] if depth.ndim == 3 else depth
        d = jax.image.resize(d, (d.shape[0], d.shape[1], target[0], target[1]), method='bilinear')
        if d.shape[1] == 1:
            d = d[:, 0]
        depth = d
    risk = weights
    if risk.shape[0] == 1:
        risk = risk[0]
    return risk

if __name__ == "__main__":
    import jax
    _d = setup_inputs()
    print(jax.jit(kernel)(*tuple(_d.values())))

</pallas_src>

<mosaic_0001>
#map = affine_map<(d0, d1) -> (0, 0)>
#map1 = affine_map<(d0, d1) -> (0)>
module attributes {stable_mosaic.version = 14 : i64} {
  func.func @gather_kernel(%arg0: i32, %arg1: i32, %arg2: memref<8192x512xi32, #tpu.memory_space<hbm>>, %arg3: memref<81xf32, #tpu.memory_space<hbm>>, %arg4: memref<8192x512xf32, #tpu.memory_space<hbm>>, %arg5: memref<81xf32, #tpu.memory_space<vmem>>) attributes {dimension_semantics = [#tpu.dimension_semantics<core_parallel>, #tpu.dimension_semantics<subcore_parallel>], iteration_bounds = array<i64: 2, 16>, scalar_prefetch = 0 : i64, scratch_operands = 1 : i64, tpu.core_type = #tpu.core_type<sc_vector_subcore>, window_params = [{transform_indices = #map}, {transform_indices = #map1}, {transform_indices = #map}]} {
    "tpu.region"() ({
      %run_scoped3A = tpu.sem_alloc : memref<!tpu.dma_semaphore, #tpu.memory_space<semaphore_mem>>
      tpu.enqueue_dma source(%arg3 : memref<81xf32, #tpu.memory_space<hbm>>) target(%arg5 : memref<81xf32, #tpu.memory_space<vmem>>) target_semaphore(%run_scoped3A : memref<!tpu.dma_semaphore, #tpu.memory_space<semaphore_mem>>)
      tpu.wait_dma2 semaphore(%run_scoped3A : memref<!tpu.dma_semaphore, #tpu.memory_space<semaphore_mem>>) src(%arg3 : memref<81xf32, #tpu.memory_space<hbm>>) dst(%arg5 : memref<81xf32, #tpu.memory_space<vmem>>)
      tpu.yield
    }) : () -> ()
    %mul3A = arith.constant 1 : i32
    %mul3A_0 = arith.muli %arg1, %mul3A : i32
    %add3A = arith.constant 0 : i32
    %add3A_1 = arith.addi %add3A, %mul3A_0 : i32
    %mul3A_2 = arith.constant 16 : i32
    %mul3A_3 = arith.muli %arg0, %mul3A_2 : i32
    %add3A_4 = arith.addi %add3A_1, %mul3A_3 : i32
    %mul3A_5 = arith.constant 8 : i32
    %mul3A_6 = arith.muli %add3A_4, %mul3A_5 : i32
    "tpu.region"() ({
      %run_scoped3A = memref.alloca() : memref<2x32x512xi32, #tpu.memory_space<vmem>>
      %run_scoped3A_7 = tpu.sem_alloc : memref<2x!tpu.dma_semaphore, #tpu.memory_space<semaphore_mem>>
      %run_scoped3A_8 = memref.alloca() : memref<2x32x512xf32, #tpu.memory_space<vmem>>
      %run_scoped3A_9 = tpu.sem_alloc : memref<2x!tpu.dma_semaphore, #tpu.memory_space<semaphore_mem>>
      %add3A_10 = arith.constant 0 : i32
      %add3A_11 = arith.addi %add3A_10, %mul3A_6 : i32
      %select_n3A = arith.constant true
      %select_n3A_12 = arith.constant 0 : i32
      %select_n3A_13 = arith.constant -1 : i32
      %select_n3A_14 = arith.select %select_n3A, %select_n3A_13, %select_n3A_12 : i32
      %eq3A = arith.constant -1 : i32
      %eq3A_15 = arith.cmpi eq, %select_n3A_14, %eq3A : i32
      %select_n3A_16 = arith.constant 7 : i32
      %select_n3A_17 = arith.select %eq3A_15, %select_n3A_16, %select_n3A_14 : i32
      %add3A_18 = arith.addi %select_n3A_17, %mul3A_6 : i32
      %select_n3A_19 = arith.constant true
      %select_n3A_20 = arith.constant 0 : i32
      %select_n3A_21 = arith.constant 1 : i32
      %select_n3A_22 = arith.select %select_n3A_19, %select_n3A_21, %select_n3A_20 : i32
      %eq3A_23 = arith.constant 8 : i32
      %eq3A_24 = arith.cmpi eq, %select_n3A_22, %eq3A_23 : i32
      %select_n3A_25 = arith.constant 0 : i32
      %select_n3A_26 = arith.select %eq3A_24, %select_n3A_25, %select_n3A_22 : i32
      %add3A_27 = arith.addi %select_n3A_26, %mul3A_6 : i32
      %add3A_28 = arith.constant 1 : i32
      %add3A_29 = arith.addi %select_n3A_26, %add3A_28 : i32
      %select_n3A_30 = arith.constant true
      %select_n3A_31 = arith.select %select_n3A_30, %add3A_29, %select_n3A_26 : i32
      %eq3A_32 = arith.constant 8 : i32
      %eq3A_33 = arith.cmpi eq, %select_n3A_31, %eq3A_32 : i32
      %select_n3A_34 = arith.constant 0 : i32
      %select_n3A_35 = arith.select %eq3A_33, %select_n3A_34, %select_n3A_31 : i32
      %add3A_36 = arith.addi %select_n3A_35, %mul3A_6 : i32
      "tpu.trace_start"() <{level = 10 : i32, message = "ep_initialize_0"}> : () -> ()
      %rem3A = arith.constant 0 : i32
      %rem3A_37 = arith.constant 2 : i32
      %rem3A_38 = arith.remui %rem3A, %rem3A_37 : i32
      %mul3A_39 = arith.constant 32 : i32
      %mul3A_40 = arith.muli %mul3A_39, %add3A_11 : i32
      %dma_start3A = arith.constant 0 : i32
      %dma_start3A_41 = arith.constant 0 : i32
      %dma_start3A_42 = tpu.memref_slice %run_scoped3A[%rem3A_38, %dma_start3A, %dma_start3A_41] : memref<2x32x512xi32, #tpu.memory_space<vmem>> -> memref<1x32x512xi32, #tpu.memory_space<vmem>>
      %dma_start3A_43 = tpu.memref_squeeze %dma_start3A_42 : memref<1x32x512xi32, #tpu.memory_space<vmem>> -> memref<32x512xi32, #tpu.memory_space<vmem>>
      %dma_start3A_44 = arith.constant 0 : i32
      %dma_start3A_45 = tpu.memref_slice %arg2[%mul3A_40, %dma_start3A_44] : memref<8192x512xi32, #tpu.memory_space<hbm>> -> memref<32x512xi32, #tpu.memory_space<hbm>>
      %dma_start3A_46 = tpu.memref_slice %run_scoped3A_7[%rem3A_38] : memref<2x!tpu.dma_semaphore, #tpu.memory_space<semaphore_mem>> -> memref<1x!tpu.dma_semaphore, #tpu.memory_space<semaphore_mem>>
      %dma_start3A_47 = tpu.memref_squeeze %dma_start3A_46 : memref<1x!tpu.dma_semaphore, #tpu.memory_space<semaphore_mem>> -> memref<!tpu.dma_semaphore, #tpu.memory_space<semaphore_mem>>
      %dma_start3A_48 = arith.constant 0 : i32
      %dma_start3A_49 = arith.constant 0 : i32
      %dma_start3A_50 = tpu.memref_slice %run_scoped3A[%rem3A_38, %dma_start3A_48, %dma_start3A_49] : memref<2x32x512xi32, #tpu.memory_space<vmem>> -> memref<1x32x512xi32, #tpu.memory_space<vmem>>
      %dma_start3A_51 = tpu.memref_squeeze %dma_start3A_50 : memref<1x32x512xi32, #tpu.memory_space<vmem>> -> memref<32x512xi32, #tpu.memory_space<vmem>>
      %dma_start3A_52 = arith.constant 0 : i32
      %dma_start3A_53 = tpu.memref_slice %arg2[%mul3A_40, %dma_start3A_52] : memref<8192x512xi32, #tpu.memory_space<hbm>> -> memref<32x512xi32, #tpu.memory_space<hbm>>
      tpu.enqueue_dma source(%dma_start3A_53 : memref<32x512xi32, #tpu.memory_space<hbm>>) target(%dma_start3A_51 : memref<32x512xi32, #tpu.memory_space<vmem>>) target_semaphore(%dma_start3A_47 : memref<!tpu.dma_semaphore, #tpu.memory_space<semaphore_mem>>)
      %add3A_54 = arith.constant 0 : i32
      %add3A_55 = arith.constant 1 : i32
      %add3A_56 = arith.addi %add3A_54, %add3A_55 : i32
      %select_n3A_57 = arith.constant true
      %select_n3A_58 = arith.constant 0 : i32
      %select_n3A_59 = arith.select %select_n3A_57, %add3A_56, %select_n3A_58 : i32
      "tpu.trace_stop"() : () -> ()
      %scan3A = arith.constant 0 : i32
      %scan3A_60 = arith.constant 0 : i32
      %scan3A_61 = arith.constant 0 : i32
      %scan3A_62 = arith.constant 0 : i32
      %scan3A_63 = arith.constant 0 : i32
      %scan3A_64 = arith.constant 8 : i32
      %scan3A_65 = arith.addi %scan3A_63, %scan3A_64 : i32
      %scan3A_66 = arith.constant 1 : i32
      %scan3A_67:5 = scf.for %scan3A_121 = %scan3A_63 to %scan3A_65 step %scan3A_66 iter_args(%scan3A_122 = %select_n3A_59, %scan3A_123 = %scan3A, %scan3A_124 = %scan3A_60, %scan3A_125 = %scan3A_61, %scan3A_126 = %scan3A_62) -> (i32, i32, i32, i32, i32)  : i32 {
        %eq3A_127 = arith.constant 0 : i32
        %eq3A_128 = arith.cmpi eq, %scan3A_121, %eq3A_127 : i32
        %eq3A_129 = arith.constant 7 : i32
        %eq3A_130 = arith.cmpi eq, %scan3A_121, %eq3A_129 : i32
        %add3A_131 = arith.addi %scan3A_126, %mul3A_6 : i32
        %sub3A_132 = arith.constant 1 : i32
        %sub3A_133 = arith.subi %scan3A_126, %sub3A_132 : i32
        %select_n3A_134 = arith.constant true
        %select_n3A_135 = arith.select %select_n3A_134, %sub3A_133, %scan3A_126 : i32
        %eq3A_136 = arith.constant -1 : i32
        %eq3A_137 = arith.cmpi eq, %select_n3A_135, %eq3A_136 : i32
        %select_n3A_138 = arith.constant 7 : i32
        %select_n3A_139 = arith.select %eq3A_137, %select_n3A_138, %select_n3A_135 : i32
        %add3A_140 = arith.addi %select_n3A_139, %mul3A_6 : i32
        %add3A_141 = arith.constant 1 : i32
        %add3A_142 = arith.addi %scan3A_126, %add3A_141 : i32
        %select_n3A_143 = arith.constant true
        %select_n3A_144 = arith.select %select_n3A_143, %add3A_142, %scan3A_126 : i32
        %eq3A_145 = arith.constant 8 : i32
        %eq3A_146 = arith.cmpi eq, %select_n3A_144, %eq3A_145 : i32
        %select_n3A_147 = arith.constant 0 : i32
        %select_n3A_148 = arith.select %eq3A_146, %select_n3A_147, %select_n3A_144 : i32
        %add3A_149 = arith.addi %select_n3A_148, %mul3A_6 : i32
        %add3A_150 = arith.constant 1 : i32
        %add3A_151 = arith.addi %select_n3A_148, %add3A_150 : i32
        %select_n3A_152 = arith.constant true
        %select_n3A_153 = arith.select %select_n3A_152, %add3A_151, %select_n3A_148 : i32
        %eq3A_154 = arith.constant 8 : i32
        %eq3A_155 = arith.cmpi eq, %select_n3A_153, %eq3A_154 : i32
        %select_n3A_156 = arith.constant 0 : i32
        %select_n3A_157 = arith.select %eq3A_155, %select_n3A_156, %select_n3A_153 : i32
        %add3A_158 = arith.addi %select_n3A_157, %mul3A_6 : i32
        %ne3A = arith.cmpi ne, %add3A_131, %add3A_149 : i32
        %or3A = arith.constant false
        %or3A_159 = arith.ori %or3A, %ne3A : i1
        %or3A_160 = arith.constant false
        %or3A_161 = arith.ori %or3A_159, %or3A_160 : i1
        %ge3A = arith.constant 7 : i32
        %ge3A_162 = arith.cmpi sge, %scan3A_121, %ge3A : i32
        %not3A = arith.constant true
        %not3A_163 = arith.xori %ge3A_162, %not3A : i1
        %and3A = arith.andi %or3A_161, %not3A_163 : i1
        %convert_element_type3A = arith.extui %and3A : i1 to i32
        %cond3A = arith.constant 0 : i32
        %cond3A_164 = arith.cmpi ne, %convert_element_type3A, %cond3A : i32
        scf.if %cond3A_164 {
          "tpu.trace_start"() <{level = 10 : i32, message = "ep_copy_in"}> : () -> ()
          %rem3A_275 = arith.constant 2 : i32
          %rem3A_276 = arith.remui %scan3A_122, %rem3A_275 : i32
          %mul3A_277 = arith.constant 32 : i32
          %mul3A_278 = arith.muli %mul3A_277, %add3A_149 : i32
          %dma_start3A_279 = arith.constant 0 : i32
          %dma_start3A_280 = arith.constant 0 : i32
          %dma_start3A_281 = tpu.memref_slice %run_scoped3A[%rem3A_276, %dma_start3A_279, %dma_start3A_280] : memref<2x32x512xi32, #tpu.memory_space<vmem>> -> memref<1x32x512xi32, #tpu.memory_space<vmem>>
          %dma_start3A_282 = tpu.memref_squeeze %dma_start3A_281 : memref<1x32x512xi32, #tpu.memory_space<vmem>> -> memref<32x512xi32, #tpu.memory_space<vmem>>
          %dma_start3A_283 = arith.constant 0 : i32
          %dma_start3A_284 = tpu.memref_slice %arg2[%mul3A_278, %dma_start3A_283] : memref<8192x512xi32, #tpu.memory_space<hbm>> -> memref<32x512xi32, #tpu.memory_space<hbm>>
          %dma_start3A_285 = tpu.memref_slice %run_scoped3A_7[%rem3A_276] : memref<2x!tpu.dma_semaphore, #tpu.memory_space<semaphore_mem>> -> memref<1x!tpu.dma_semaphore, #tpu.memory_space<semaphore_mem>>
          %dma_start3A_286 = tpu.memref_squeeze %dma_start3A_285 : memref<1x!tpu.dma_semaphore, #tpu.memory_space<semaphore_mem>> -> memref<!tpu.dma_semaphore, #tpu.memory_space<semaphore_mem>>
          %dma_start3A_287 = arith.constant 0 : i32
          %dma_start3A_288 = arith.constant 0 : i32
          %dma_start3A_289 = tpu.memref_slice %run_scoped3A[%rem3A_276, %dma_start3A_287, %dma_start3A_288] : memref<2x32x512xi32, #tpu.memory_space<vmem>> -> memref<1x32x512xi32, #tpu.memory_space<vmem>>
          %dma_start3A_290 = tpu.memref_squeeze %dma_start3A_289 : memref<1x32x512xi32, #tpu.memory_space<vmem>> -> memref<32x512xi32, #tpu.memory_space<vmem>>
          %dma_start3A_291 = arith.constant 0 : i32
          %dma_start3A_292 = tpu.memref_slice %arg2[%mul3A_278, %dma_start3A_291] : memref<8192x512xi32, #tpu.memory_space<hbm>> -> memref<32x512xi32, #tpu.memory_space<hbm>>
          tpu.enqueue_dma source(%dma_start3A_292 : memref<32x512xi32, #tpu.memory_space<hbm>>) target(%dma_start3A_290 : memref<32x512xi32, #tpu.memory_space<vmem>>) target_semaphore(%dma_start3A_286 : memref<!tpu.dma_semaphore, #tpu.memory_space<semaphore_mem>>)
          "tpu.trace_stop"() : () -> ()
        } else {
        }
        %and3A_165 = arith.constant true
        %and3A_166 = arith.andi %and3A, %and3A_165 : i1
        %add3A_167 = arith.constant 1 : i32
        %add3A_168 = arith.addi %scan3A_122, %add3A_167 : i32
        %select_n3A_169 = arith.select %and3A_166, %add3A_168, %scan3A_122 : i32
        %ne3A_170 = arith.cmpi ne, %add3A_131, %add3A_149 : i32
        %or3A_171 = arith.constant false
        %or3A_172 = arith.ori %or3A_171, %ne3A_170 : i1
        %or3A_173 = arith.constant false
        %or3A_174 = arith.ori %or3A_172, %or3A_173 : i1
        %ge3A_175 = arith.constant 7 : i32
        %ge3A_176 = arith.cmpi sge, %scan3A_121, %ge3A_175 : i32
        %not3A_177 = arith.constant true
        %not3A_178 = arith.xori %ge3A_176, %not3A_177 : i1
        %and3A_179 = arith.andi %or3A_174, %not3A_178 : i1
        %ne3A_180 = arith.cmpi ne, %add3A_131, %add3A_140 : i32
        %or3A_181 = arith.constant false
        %or3A_182 = arith.ori %or3A_181, %ne3A_180 : i1
        %or3A_183 = arith.constant false
        %or3A_184 = arith.ori %or3A_182, %or3A_183 : i1
        %or3A_185 = arith.ori %or3A_184, %eq3A_128 : i1
        %convert_element_type3A_186 = arith.extui %or3A_185 : i1 to i32
        %cond3A_187 = arith.constant 0 : i32
        %cond3A_188 = arith.cmpi ne, %convert_element_type3A_186, %cond3A_187 : i32
        scf.if %cond3A_188 {
          "tpu.trace_start"() <{level = 10 : i32, message = "ep_wait_in"}> : () -> ()
          %mul3A_275 = arith.constant 32 : i32
          %mul3A_276 = arith.muli %mul3A_275, %add3A_131 : i32
          %rem3A_277 = arith.constant 2 : i32
          %rem3A_278 = arith.remui %scan3A_123, %rem3A_277 : i32
          %dma_wait3A_279 = arith.constant 0 : i32
          %dma_wait3A_280 = arith.constant 0 : i32
          %dma_wait3A_281 = tpu.memref_slice %run_scoped3A[%rem3A_278, %dma_wait3A_279, %dma_wait3A_280] : memref<2x32x512xi32, #tpu.memory_space<vmem>> -> memref<1x32x512xi32, #tpu.memory_space<vmem>>
          %dma_wait3A_282 = tpu.memref_squeeze %dma_wait3A_281 : memref<1x32x512xi32, #tpu.memory_space<vmem>> -> memref<32x512xi32, #tpu.memory_space<vmem>>
          %dma_wait3A_283 = arith.constant 0 : i32
          %dma_wait3A_284 = tpu.memref_slice %arg2[%mul3A_276, %dma_wait3A_283] : memref<8192x512xi32, #tpu.memory_space<hbm>> -> memref<32x512xi32, #tpu.memory_space<hbm>>
          %dma_wait3A_285 = tpu.memref_slice %run_scoped3A_7[%rem3A_278] : memref<2x!tpu.dma_semaphore, #tpu.memory_space<semaphore_mem>> -> memref<1x!tpu.dma_semaphore, #tpu.memory_space<semaphore_mem>>
          %dma_wait3A_286 = tpu.memref_squeeze %dma_wait3A_285 : memref<1x!tpu.dma_semaphore, #tpu.memory_space<semaphore_mem>> -> memref<!tpu.dma_semaphore, #tpu.memory_space<semaphore_mem>>
          %dma_wait3A_287 = arith.constant 0 : i32
          %dma_wait3A_288 = arith.constant 0 : i32
          %dma_wait3A_289 = tpu.memref_slice %run_scoped3A[%rem3A_278, %dma_wait3A_287, %dma_wait3A_288] : memref<2x32x512xi32, #tpu.memory_space<vmem>> -> memref<1x32x512xi32, #tpu.memory_space<vmem>>
          %dma_wait3A_290 = tpu.memref_squeeze %dma_wait3A_289 : memref<1x32x512xi32, #tpu.memory_space<vmem>> -> memref<32x512xi32, #tpu.memory_space<vmem>>
          %dma_wait3A_291 = arith.constant 0 : i32
          %dma_wait3A_292 = tpu.memref_slice %arg2[%mul3A_276, %dma_wait3A_291] : memref<8192x512xi32, #tpu.memory_space<hbm>> -> memref<32x512xi32, #tpu.memory_space<hbm>>
          tpu.wait_dma2 semaphore(%dma_wait3A_286 : memref<!tpu.dma_semaphore, #tpu.memory_space<semaphore_mem>>) src(%dma_wait3A_292 : memref<32x512xi32, #tpu.memory_space<hbm>>) dst(%dma_wait3A_290 : memref<32x512xi32, #tpu.memory_space<vmem>>)
          "tpu.trace_stop"() : () -> ()
        } else {
        }
        %ne3A_189 = arith.cmpi ne, %add3A_131, %add3A_140 : i32
        %or3A_190 = arith.constant false
        %or3A_191 = arith.ori %or3A_190, %ne3A_189 : i1
        %or3A_192 = arith.constant false
        %or3A_193 = arith.ori %or3A_191, %or3A_192 : i1
        %or3A_194 = arith.ori %or3A_193, %eq3A_128 : i1
        %convert_element_type3A_195 = arith.extui %or3A_194 : i1 to i32
        %cond3A_196 = arith.constant 0 : i32
        %cond3A_197 = arith.cmpi ne, %convert_element_type3A_195, %cond3A_196 : i32
        scf.if %cond3A_197 {
        } else {
        }
        %rem3A_198 = arith.constant 2 : i32
        %rem3A_199 = arith.remui %scan3A_123, %rem3A_198 : i32
        %rem3A_200 = arith.constant 2 : i32
        %rem3A_201 = arith.remui %scan3A_124, %rem3A_200 : i32
        %parallel_loop3A = arith.constant 0 : i32
        %parallel_loop3A_202 = arith.constant 32 : i32
        %parallel_loop3A_203 = arith.constant 1 : i32
        "tpu.trace_start"() <{level = 10 : i32, message = "ep_run_kernel"}> : () -> ()
        scf.for %parallel_loop3A_275 = %parallel_loop3A to %parallel_loop3A_202 step %parallel_loop3A_203  : i32 {
          %parallel_loop3A_276 = arith.constant 0 : i32
          %parallel_loop3A_277 = arith.constant 512 : i32
          %parallel_loop3A_278 = arith.constant 16 : i32
          scf.for %parallel_loop3A_279 = %parallel_loop3A_276 to %parallel_loop3A_277 step %parallel_loop3A_278  : i32 {
            %parallel_loop3A_280 = arith.constant 0 : i32
            %parallel_loop3A_281 = arith.constant 0 : i32
            %parallel_loop3A_282 = tpu.memref_slice %run_scoped3A[%rem3A_199, %parallel_loop3A_280, %parallel_loop3A_281] : memref<2x32x512xi32, #tpu.memory_space<vmem>> -> memref<1x32x512xi32, #tpu.memory_space<vmem>>
            %parallel_loop3A_283 = tpu.memref_squeeze %parallel_loop3A_282 : memref<1x32x512xi32, #tpu.memory_space<vmem>> -> memref<32x512xi32, #tpu.memory_space<vmem>>
            %parallel_loop3A_284 = arith.index_cast %parallel_loop3A_275 : i32 to index
            %parallel_loop3A_285 = arith.index_cast %parallel_loop3A_279 : i32 to index
            %parallel_loop3A_286 = tpu.vector_load %parallel_loop3A_283[%parallel_loop3A_284, %parallel_loop3A_285] {strides = array<i32>} : memref<32x512xi32, #tpu.memory_space<vmem>>, vector<16xi32>,
            %parallel_loop3A_287 = arith.constant 0 : i32
            %parallel_loop3A_288 = vector.broadcast %parallel_loop3A_287 : i32 to vector<16xi32>
            %parallel_loop3A_289 = arith.maxsi %parallel_loop3A_286, %parallel_loop3A_288 : vector<16xi32>
            %parallel_loop3A_290 = arith.constant 80 : i32
            %parallel_loop3A_291 = vector.broadcast %parallel_loop3A_290 : i32 to vector<16xi32>
            %parallel_loop3A_292 = arith.minsi %parallel_loop3A_289, %parallel_loop3A_291 : vector<16xi32>
            %parallel_loop3A_293 = tpu.vector_load_idx %arg5[%parallel_loop3A_292] : memref<81xf32, #tpu.memory_space<vmem>>[vector<16xi32>], vector<16xf32>,
            %parallel_loop3A_294 = arith.constant 0 : i32
            %parallel_loop3A_295 = arith.constant 0 : i32
            %parallel_loop3A_296 = tpu.memref_slice %run_scoped3A_8[%rem3A_201, %parallel_loop3A_294, %parallel_loop3A_295] : memref<2x32x512xf32, #tpu.memory_space<vmem>> -> memref<1x32x512xf32, #tpu.memory_space<vmem>>
            %parallel_loop3A_297 = tpu.memref_squeeze %parallel_loop3A_296 : memref<1x32x512xf32, #tpu.memory_space<vmem>> -> memref<32x512xf32, #tpu.memory_space<vmem>>
            %parallel_loop3A_298 = arith.index_cast %parallel_loop3A_275 : i32 to index
            %parallel_loop3A_299 = arith.index_cast %parallel_loop3A_279 : i32 to index
            %parallel_loop3A_300 = tpu.vector_load %parallel_loop3A_297[%parallel_loop3A_298, %parallel_loop3A_299] {strides = array<i32>} : memref<32x512xf32, #tpu.memory_space<vmem>>, vector<16xf32>,
            tpu.vector_store %parallel_loop3A_297[%parallel_loop3A_298, %parallel_loop3A_299], %parallel_loop3A_293 {strides = array<i32>} : memref<32x512xf32, #tpu.memory_space<vmem>>, vector<16xf32>,
          } {sc.loop_unroll_factor = 8 : i64, sc.parallel_access}
        } {sc.loop_unroll_factor = 2 : i64, sc.parallel_access}
        "tpu.trace_stop"() : () -> ()
        %ne3A_204 = arith.cmpi ne, %add3A_131, %add3A_149 : i32
        %or3A_205 = arith.constant false
        %or3A_206 = arith.ori %or3A_205, %ne3A_204 : i1
        %or3A_207 = arith.constant false
        %or3A_208 = arith.ori %or3A_206, %or3A_207 : i1
        %or3A_209 = arith.ori %or3A_208, %eq3A_130 : i1
        %convert_element_type3A_210 = arith.extui %or3A_209 : i1 to i32
        %cond3A_211 = arith.constant 0 : i32
        %cond3A_212 = arith.cmpi ne, %convert_element_type3A_210, %cond3A_211 : i32
        scf.if %cond3A_212 {
        } else {
        }
        %and3A_213 = arith.constant false
        %and3A_214 = arith.andi %or3A_209, %and3A_213 : i1
        %ne3A_215 = arith.cmpi ne, %add3A_131, %add3A_149 : i32
        %or3A_216 = arith.constant false
        %or3A_217 = arith.ori %or3A_216, %ne3A_215 : i1
        %or3A_218 = arith.constant false
        %or3A_219 = arith.ori %or3A_217, %or3A_218 : i1
        %or3A_220 = arith.ori %or3A_219, %eq3A_130 : i1
        %convert_element_type3A_221 = arith.extui %or3A_220 : i1 to i32
        %cond3A_222 = arith.constant 0 : i32
        %cond3A_223 = arith.cmpi ne, %convert_element_type3A_221, %cond3A_222 : i32
        scf.if %cond3A_223 {
          "tpu.trace_start"() <{level = 10 : i32, message = "ep_copy_out"}> : () -> ()
          %rem3A_275 = arith.constant 2 : i32
          %rem3A_276 = arith.remui %scan3A_124, %rem3A_275 : i32
          %mul3A_277 = arith.constant 32 : i32
          %mul3A_278 = arith.muli %mul3A_277, %add3A_131 : i32
          %dma_start3A_279 = arith.constant 0 : i32
          %dma_start3A_280 = arith.constant 0 : i32
          %dma_start3A_281 = tpu.memref_slice %run_scoped3A_8[%rem3A_276, %dma_start3A_279, %dma_start3A_280] : memref<2x32x512xf32, #tpu.memory_space<vmem>> -> memref<1x32x512xf32, #tpu.memory_space<vmem>>
          %dma_start3A_282 = tpu.memref_squeeze %dma_start3A_281 : memref<1x32x512xf32, #tpu.memory_space<vmem>> -> memref<32x512xf32, #tpu.memory_space<vmem>>
          %dma_start3A_283 = arith.constant 0 : i32
          %dma_start3A_284 = tpu.memref_slice %arg4[%mul3A_278, %dma_start3A_283] : memref<8192x512xf32, #tpu.memory_space<hbm>> -> memref<32x512xf32, #tpu.memory_space<hbm>>
          %dma_start3A_285 = tpu.memref_slice %run_scoped3A_9[%rem3A_276] : memref<2x!tpu.dma_semaphore, #tpu.memory_space<semaphore_mem>> -> memref<1x!tpu.dma_semaphore, #tpu.memory_space<semaphore_mem>>
          %dma_start3A_286 = tpu.memref_squeeze %dma_start3A_285 : memref<1x!tpu.dma_semaphore, #tpu.memory_space<semaphore_mem>> -> memref<!tpu.dma_semaphore, #tpu.memory_space<semaphore_mem>>
          %dma_start3A_287 = arith.constant 0 : i32
          %dma_start3A_288 = tpu.memref_slice %arg4[%mul3A_278, %dma_start3A_287] : memref<8192x512xf32, #tpu.memory_space<hbm>> -> memref<32x512xf32, #tpu.memory_space<hbm>>
          %dma_start3A_289 = arith.constant 0 : i32
          %dma_start3A_290 = arith.constant 0 : i32
          %dma_start3A_291 = tpu.memref_slice %run_scoped3A_8[%rem3A_276, %dma_start3A_289, %dma_start3A_290] : memref<2x32x512xf32, #tpu.memory_space<vmem>> -> memref<1x32x512xf32, #tpu.memory_space<vmem>>
          %dma_start3A_292 = tpu.memref_squeeze %dma_start3A_291 : memref<1x32x512xf32, #tpu.memory_space<vmem>> -> memref<32x512xf32, #tpu.memory_space<vmem>>
          tpu.enqueue_dma source(%dma_start3A_292 : memref<32x512xf32, #tpu.memory_space<vmem>>) target(%dma_start3A_288 : memref<32x512xf32, #tpu.memory_space<hbm>>) target_semaphore(%dma_start3A_286 : memref<!tpu.dma_semaphore, #tpu.memory_space<semaphore_mem>>)
          "tpu.trace_stop"() : () -> ()
        } else {
        }
        %and3A_224 = arith.constant true
        %and3A_225 = arith.andi %or3A_220, %and3A_224 : i1
        %add3A_226 = arith.constant 1 : i32
        %add3A_227 = arith.addi %scan3A_124, %add3A_226 : i32
        %select_n3A_228 = arith.select %and3A_225, %add3A_227, %scan3A_124 : i32
        %ne3A_229 = arith.cmpi ne, %add3A_131, %add3A_140 : i32
        %or3A_230 = arith.constant false
        %or3A_231 = arith.ori %or3A_230, %ne3A_229 : i1
        %or3A_232 = arith.constant false
        %or3A_233 = arith.ori %or3A_231, %or3A_232 : i1
        %not3A_234 = arith.constant true
        %not3A_235 = arith.xori %eq3A_128, %not3A_234 : i1
        %and3A_236 = arith.andi %or3A_233, %not3A_235 : i1
        %convert_element_type3A_237 = arith.extui %and3A_236 : i1 to i32
        %cond3A_238 = arith.constant 0 : i32
        %cond3A_239 = arith.cmpi ne, %convert_element_type3A_237, %cond3A_238 : i32
        scf.if %cond3A_239 {
        } else {
        }
        %and3A_240 = arith.constant false
        %and3A_241 = arith.andi %and3A_236, %and3A_240 : i1
        %ne3A_242 = arith.cmpi ne, %add3A_131, %add3A_140 : i32
        %or3A_243 = arith.constant false
        %or3A_244 = arith.ori %or3A_243, %ne3A_242 : i1
        %or3A_245 = arith.constant false
        %or3A_246 = arith.ori %or3A_244, %or3A_245 : i1
        %not3A_247 = arith.constant true
        %not3A_248 = arith.xori %eq3A_128, %not3A_247 : i1
        %and3A_249 = arith.andi %or3A_246, %not3A_248 : i1
        %convert_element_type3A_250 = arith.extui %and3A_249 : i1 to i32
        %cond3A_251 = arith.constant 0 : i32
        %cond3A_252 = arith.cmpi ne, %convert_element_type3A_250, %cond3A_251 : i32
        scf.if %cond3A_252 {
          "tpu.trace_start"() <{level = 10 : i32, message = "ep_wait_out"}> : () -> ()
          %rem3A_275 = arith.constant 2 : i32
          %rem3A_276 = arith.remui %scan3A_125, %rem3A_275 : i32
          %mul3A_277 = arith.constant 32 : i32
          %mul3A_278 = arith.muli %mul3A_277, %add3A_140 : i32
          %dma_wait3A_279 = arith.constant 0 : i32
          %dma_wait3A_280 = arith.constant 0 : i32
          %dma_wait3A_281 = tpu.memref_slice %run_scoped3A_8[%rem3A_276, %dma_wait3A_279, %dma_wait3A_280] : memref<2x32x512xf32, #tpu.memory_space<vmem>> -> memref<1x32x512xf32, #tpu.memory_space<vmem>>
          %dma_wait3A_282 = tpu.memref_squeeze %dma_wait3A_281 : memref<1x32x512xf32, #tpu.memory_space<vmem>> -> memref<32x512xf32, #tpu.memory_space<vmem>>
          %dma_wait3A_283 = arith.constant 0 : i32
          %dma_wait3A_284 = tpu.memref_slice %arg4[%mul3A_278, %dma_wait3A_283] : memref<8192x512xf32, #tpu.memory_space<hbm>> -> memref<32x512xf32, #tpu.memory_space<hbm>>
          %dma_wait3A_285 = tpu.memref_slice %run_scoped3A_9[%rem3A_276] : memref<2x!tpu.dma_semaphore, #tpu.memory_space<semaphore_mem>> -> memref<1x!tpu.dma_semaphore, #tpu.memory_space<semaphore_mem>>
          %dma_wait3A_286 = tpu.memref_squeeze %dma_wait3A_285 : memref<1x!tpu.dma_semaphore, #tpu.memory_space<semaphore_mem>> -> memref<!tpu.dma_semaphore, #tpu.memory_space<semaphore_mem>>
          %dma_wait3A_287 = arith.constant 0 : i32
          %dma_wait3A_288 = tpu.memref_slice %arg4[%mul3A_278, %dma_wait3A_287] : memref<8192x512xf32, #tpu.memory_space<hbm>> -> memref<32x512xf32, #tpu.memory_space<hbm>>
          %dma_wait3A_289 = arith.constant 0 : i32
          %dma_wait3A_290 = arith.constant 0 : i32
          %dma_wait3A_291 = tpu.memref_slice %run_scoped3A_8[%rem3A_276, %dma_wait3A_289, %dma_wait3A_290] : memref<2x32x512xf32, #tpu.memory_space<vmem>> -> memref<1x32x512xf32, #tpu.memory_space<vmem>>
          %dma_wait3A_292 = tpu.memref_squeeze %dma_wait3A_291 : memref<1x32x512xf32, #tpu.memory_space<vmem>> -> memref<32x512xf32, #tpu.memory_space<vmem>>
          tpu.wait_dma2 semaphore(%dma_wait3A_286 : memref<!tpu.dma_semaphore, #tpu.memory_space<semaphore_mem>>) src(%dma_wait3A_292 : memref<32x512xf32, #tpu.memory_space<vmem>>) dst(%dma_wait3A_288 : memref<32x512xf32, #tpu.memory_space<hbm>>)
          "tpu.trace_stop"() : () -> ()
        } else {
        }
        %and3A_253 = arith.constant true
        %and3A_254 = arith.andi %and3A_249, %and3A_253 : i1
        %add3A_255 = arith.constant 1 : i32
        %add3A_256 = arith.addi %scan3A_125, %add3A_255 : i32
        %select_n3A_257 = arith.select %and3A_254, %add3A_256, %scan3A_125 : i32
        %ne3A_258 = arith.cmpi ne, %add3A_131, %add3A_149 : i32
        %or3A_259 = arith.constant false
        %or3A_260 = arith.ori %or3A_259, %ne3A_258 : i1
        %or3A_261 = arith.constant false
        %or3A_262 = arith.ori %or3A_260, %or3A_261 : i1
        %or3A_263 = arith.ori %or3A_262, %eq3A_130 : i1
        %add3A_264 = arith.constant 1 : i32
        %add3A_265 = arith.addi %scan3A_123, %add3A_264 : i32
        %select_n3A_266 = arith.select %or3A_263, %add3A_265, %scan3A_123 : i32
        %add3A_267 = arith.constant 1 : i32
        %add3A_268 = arith.addi %scan3A_126, %add3A_267 : i32
        %select_n3A_269 = arith.constant true
        %select_n3A_270 = arith.select %select_n3A_269, %add3A_268, %scan3A_126 : i32
        %eq3A_271 = arith.constant 8 : i32
        %eq3A_272 = arith.cmpi eq, %select_n3A_270, %eq3A_271 : i32
        %select_n3A_273 = arith.constant 0 : i32
        %select_n3A_274 = arith.select %eq3A_272, %select_n3A_273, %select_n3A_270 : i32
        scf.yield %select_n3A_169, %select_n3A_266, %select_n3A_228, %select_n3A_257, %select_n3A_274 : i32, i32, i32, i32, i32
      }
      %scan3A_68 = arith.constant 8 : i32
      %sub3A = arith.constant 1 : i32
      %sub3A_69 = arith.subi %scan3A_67#4, %sub3A : i32
      %select_n3A_70 = arith.constant true
      %select_n3A_71 = arith.select %select_n3A_70, %sub3A_69, %scan3A_67#4 : i32
      %eq3A_72 = arith.constant -1 : i32
      %eq3A_73 = arith.cmpi eq, %select_n3A_71, %eq3A_72 : i32
      %select_n3A_74 = arith.constant 7 : i32
      %select_n3A_75 = arith.select %eq3A_73, %select_n3A_74, %select_n3A_71 : i32
      %add3A_76 = arith.addi %select_n3A_75, %mul3A_6 : i32
      %sub3A_77 = arith.constant 1 : i32
      %sub3A_78 = arith.subi %select_n3A_75, %sub3A_77 : i32
      %select_n3A_79 = arith.constant true
      %select_n3A_80 = arith.select %select_n3A_79, %sub3A_78, %select_n3A_75 : i32
      %eq3A_81 = arith.constant -1 : i32
      %eq3A_82 = arith.cmpi eq, %select_n3A_80, %eq3A_81 : i32
      %select_n3A_83 = arith.constant 7 : i32
      %select_n3A_84 = arith.select %eq3A_82, %select_n3A_83, %select_n3A_80 : i32
      %add3A_85 = arith.addi %select_n3A_84, %mul3A_6 : i32
      %add3A_86 = arith.constant 1 : i32
      %add3A_87 = arith.addi %select_n3A_75, %add3A_86 : i32
      %select_n3A_88 = arith.constant true
      %select_n3A_89 = arith.select %select_n3A_88, %add3A_87, %select_n3A_75 : i32
      %eq3A_90 = arith.constant 8 : i32
      %eq3A_91 = arith.cmpi eq, %select_n3A_89, %eq3A_90 : i32
      %select_n3A_92 = arith.constant 0 : i32
      %select_n3A_93 = arith.select %eq3A_91, %select_n3A_92, %select_n3A_89 : i32
      %add3A_94 = arith.addi %select_n3A_93, %mul3A_6 : i32
      %add3A_95 = arith.constant 1 : i32
      %add3A_96 = arith.addi %select_n3A_93, %add3A_95 : i32
      %select_n3A_97 = arith.constant true
      %select_n3A_98 = arith.select %select_n3A_97, %add3A_96, %select_n3A_93 : i32
      %eq3A_99 = arith.constant 8 : i32
      %eq3A_100 = arith.cmpi eq, %select_n3A_98, %eq3A_99 : i32
      %select_n3A_101 = arith.constant 0 : i32
      %select_n3A_102 = arith.select %eq3A_100, %select_n3A_101, %select_n3A_98 : i32
      %add3A_103 = arith.addi %select_n3A_102, %mul3A_6 : i32
      "tpu.trace_start"() <{level = 10 : i32, message = "ep_finalize"}> : () -> ()
      %rem3A_104 = arith.constant 2 : i32
      %rem3A_105 = arith.remui %scan3A_67#3, %rem3A_104 : i32
      %mul3A_106 = arith.constant 32 : i32
      %mul3A_107 = arith.muli %mul3A_106, %add3A_76 : i32
      %dma_wait3A = arith.constant 0 : i32
      %dma_wait3A_108 = arith.constant 0 : i32
      %dma_wait3A_109 = tpu.memref_slice %run_scoped3A_8[%rem3A_105, %dma_wait3A, %dma_wait3A_108] : memref<2x32x512xf32, #tpu.memory_space<vmem>> -> memref<1x32x512xf32, #tpu.memory_space<vmem>>
      %dma_wait3A_110 = tpu.memref_squeeze %dma_wait3A_109 : memref<1x32x512xf32, #tpu.memory_space<vmem>> -> memref<32x512xf32, #tpu.memory_space<vmem>>
      %dma_wait3A_111 = arith.constant 0 : i32
      %dma_wait3A_112 = tpu.memref_slice %arg4[%mul3A_107, %dma_wait3A_111] : memref<8192x512xf32, #tpu.memory_space<hbm>> -> memref<32x512xf32, #tpu.memory_space<hbm>>
      %dma_wait3A_113 = tpu.memref_slice %run_scoped3A_9[%rem3A_105] : memref<2x!tpu.dma_semaphore, #tpu.memory_space<semaphore_mem>> -> memref<1x!tpu.dma_semaphore, #tpu.memory_space<semaphore_mem>>
      %dma_wait3A_114 = tpu.memref_squeeze %dma_wait3A_113 : memref<1x!tpu.dma_semaphore, #tpu.memory_space<semaphore_mem>> -> memref<!tpu.dma_semaphore, #tpu.memory_space<semaphore_mem>>
      %dma_wait3A_115 = arith.constant 0 : i32
      %dma_wait3A_116 = tpu.memref_slice %arg4[%mul3A_107, %dma_wait3A_115] : memref<8192x512xf32, #tpu.memory_space<hbm>> -> memref<32x512xf32, #tpu.memory_space<hbm>>
      %dma_wait3A_117 = arith.constant 0 : i32
      %dma_wait3A_118 = arith.constant 0 : i32
      %dma_wait3A_119 = tpu.memref_slice %run_scoped3A_8[%rem3A_105, %dma_wait3A_117, %dma_wait3A_118] : memref<2x32x512xf32, #tpu.memory_space<vmem>> -> memref<1x32x512xf32, #tpu.memory_space<vmem>>
      %dma_wait3A_120 = tpu.memref_squeeze %dma_wait3A_119 : memref<1x32x512xf32, #tpu.memory_space<vmem>> -> memref<32x512xf32, #tpu.memory_space<vmem>>
      tpu.wait_dma2 semaphore(%dma_wait3A_114 : memref<!tpu.dma_semaphore, #tpu.memory_space<semaphore_mem>>) src(%dma_wait3A_120 : memref<32x512xf32, #tpu.memory_space<vmem>>) dst(%dma_wait3A_116 : memref<32x512xf32, #tpu.memory_space<hbm>>)
      "tpu.trace_stop"() : () -> ()
      tpu.yield
    }) : () -> ()
    return
  }
}

</mosaic_0001>

<sc_bundles>
// kernel: kernel.3.cloned.1.call-start
scs
__scs_entry_jumppad:
0x0: {  	(pc) =	sbr.rel $0x88, $3  }
0x1: {  	(tag) =	ssettag $0x0;
	lr =	simm.s32 $0x1  }
0x2: {  	[smem:$0x3F9F] =	sst lr;
	_ =	strace $0xD0000000  }
0x3: {  	_ = 	snop  }
0x4: {  	_ = 	snop  }
0x5: {  	_ = 	snop  }
0x6: {  	_ = 	snop  }
0x7: {  	_ = 	snop  }
__scs_overlays_trampoline_lowered:
0x8: {  	[smem:$0x3FAE] =	sst s0  }
0x9: {  	[smem:$0x3FAF] =	sst s1  }
0xa: {  	[smem:$0x3FB0] =	sst s2  }
0xb: {  	[smem:$0x3FB1] =	sst s3  }
0xc: {  	[smem:$0x3FB2] =	sst s4  }
0xd: {  	[smem:$0x3FB3] =	sst s5  }
0xe: {  	[smem:$0x3FB4] =	sst s6  }
0xf: {  	[smem:$0x3FB5] =	sst s7  }
0x10: {  	[smem:$0x3FB6] =	sst s8  }
0x11: {  	[smem:$0x3FB7] =	sst s9;
	s0 =	simm.s32 @!p0 $0x0  }
0x12: {  	s1 =	sld [smem:$0x3F9D];
	s0 =	simm.s32 @p0 $0x1  }
0x13: {  	[smem:$0x3FB8] =	sst s0;
	s0 =	simm.s32 @!p1 $0x0  }
0x14: {  	s2 =	sld [smem:$0x3F9C];
	s0 =	simm.s32 @p1 $0x1  }
0x15: {  	[smem:$0x3FB9] =	sst s0;
	s0 =	simm.s32 @!p2 $0x0  }
0x16: {  	s3 =	sld [smem:$0x3FDB];
	s0 =	simm.s32 @p2 $0x1  }
0x17: {  	s4 =	simm.s32 $0x1BF5;
	[smem:$0x3FBB] =	sst s0  }
0x18: {  	s0 =	sld [smem:$0x3F9E];
	_ =	swait.ge [sflag:s4], $0x0  }
0x19: {  	s7 =	sld [smem:$0x3F9F]  }
0x1a: {  	s8 =	sadd.s32 $0xFFFFE003, lr  }
0x1b: {  	s9 =	sadd.s32 $0xFFFFFEF7, lr;
	s5 =	simm.s32 $0xFFFFFFFF;
	p2 =	slt.u32 s8, $0xFFFFF086  }
0x1c: {  	p1 =	slt.u32 s9, $0xF7A;
	s5 =	simm.s32 @!p2 $0x0  }
0x1d: {  	s5 =	simm.s32 @p1 $0x1;
	p0 =	seq.s32 s7, s2  }
0x1e: {  	s7 =	smul.u32 @!p0 $0xF7A, s2;
	p2 =	seq.s32 @!p0 s5, $0x0  }
0x1f: {  	s9 =	smul.u32 $0xF7A, s1;
	s8 =	simm.s32 @!p0 $0x1BF5;
	p2 =	por !p2, p0  }
0x20: {  	[sflag:s8] =	ssyncset.s32 @!p0 $0xFFFFF086;
	s6 =	sadd.s32 @!p0 s3, s7;
	s7 =	simm.s32 @!p0 $0x108  }
0x21: {  	s3 =	sadd.s32 s3, s9;
	s6 =	sadd.s32 @!p0 $0x88, s6;
	s7 =	simm.s32 @p2 $0x1082  }
0x22: {  	[simem:s7], [sflag:s8] =	dma.local @!p0 [hbm:s6], $0xF7A  }
0x23: {  	s9 =	sor.u32 $0xD0000000, s2;
	s6 =	simm.s32 $0x108;
	_ =	swait.ge @!p0 [sflag:s8], $0x0  }
0x24: {  	s3 =	sadd.s32 $0x88, s3;
	s6 =	simm.s32 @!p1 $0x1082;
	[sflag:s4] =	ssyncset.s32 $0xFFFFF086  }
0x25: {  	[simem:s6], [sflag:s4] =	dma.local [hbm:s3], $0xF7A  }
0x26: {  	[smem:$0x3F9F] =	sst s1;
	(tag) =	ssettag s2;
	_ =	strace s9  }
0x27: {  	s1 =	sld [smem:$0x3FAF]  }
0x28: {  	s2 =	sld [smem:$0x3FB0]  }
0x29: {  	s4 =	sld [smem:$0x3FB2]  }
0x2a: {  	p0 =	seq.s32 s5, $0x0;
	s5 =	sld [smem:$0x3FB3]  }
0x2b: {  	s6 =	sld [smem:$0x3FB4]  }
0x2c: {  	s7 =	sld [smem:$0x3FB5]  }
0x2d: {  	s3 =	simm.s32 $0x108;
	s8 =	sld [smem:$0x3FB6]  }
0x2e: {  	s3 =	simm.s32 @!p0 $0x1082;
	s9 =	sld [smem:$0x3FB7]  }
0x2f: {  	lr =	sadd.s32 s0, s3;
	s0 =	sld [smem:$0x3FAE]  }
0x30: {  	s3 =	sld [smem:$0x3FB1]  }
0x31: {  	[smem:$0x3FBA] =	sst s10  }
0x32: {  	s10 =	sld [smem:$0x3FB8];
	_ =	sdelay $0x3  }
0x33: {  	p0 =	seq.s32 s10, $0x1;
	s10 =	sld [smem:$0x3FBA];
	_ =	sdelay $0x3  }
0x34: {  	[smem:$0x3FBA] =	sst s10  }
0x35: {  	s10 =	sld [smem:$0x3FB9];
	_ =	sdelay $0x3  }
0x36: {  	p1 =	seq.s32 s10, $0x1;
	s10 =	sld [smem:$0x3FBA];
	_ =	sdelay $0x3  }
0x37: {  	[smem:$0x3FBA] =	sst s10  }
0x38: {  	s10 =	sld [smem:$0x3FBB]  }
0x39: {  	_ = 	snop;
	(pc) =	sbr.ind lr, $3  }
0x3a: {  	_ = 	snop  }
0x3b: {  	_ = 	snop  }
0x3c: {  	p2 =	seq.s32 s10, $0x1;
	s10 =	sld [smem:$0x3FBA]  }
0x3d: {  	_ =	shalt  }
0x3e: {  	_ =	shalt  }
0x3f: {  	_ =	shalt  }
0x40: {  	_ =	shalt  }
0x41: {  	_ =	shalt  }
0x42: {  	_ =	shalt  }
0x43: {  	_ =	shalt  }
0x44: {  	_ =	shalt  }
0x45: {  	_ =	shalt  }
0x46: {  	_ =	shalt  }
0x47: {  	_ =	shalt  }
0x48: {  	_ =	shalt  }
0x49: {  	_ =	shalt  }
0x4a: {  	_ =	shalt  }
0x4b: {  	_ =	shalt  }
0x4c: {  	_ =	shalt  }
0x4d: {  	_ =	shalt  }
0x4e: {  	_ =	shalt  }
0x4f: {  	_ =	shalt  }
0x50: {  	_ =	shalt  }
0x51: {  	_ =	shalt  }
0x52: {  	_ =	shalt  }
0x53: {  	_ =	shalt  }
0x54: {  	_ =	shalt  }
0x55: {  	_ =	shalt  }
0x56: {  	_ =	shalt  }
0x57: {  	_ =	shalt  }
0x58: {  	_ =	shalt  }
0x59: {  	_ =	shalt  }
0x5a: {  	_ =	shalt  }
0x5b: {  	_ =	shalt  }
0x5c: {  	_ =	shalt  }
0x5d: {  	_ =	shalt  }
0x5e: {  	_ =	shalt  }
0x5f: {  	_ =	shalt  }
0x60: {  	_ =	shalt  }
0x61: {  	_ =	shalt  }
0x62: {  	_ =	shalt  }
0x63: {  	_ =	shalt  }
0x64: {  	_ =	shalt  }
0x65: {  	_ =	shalt  }
0x66: {  	_ =	shalt  }
0x67: {  	_ =	shalt  }
0x68: {  	_ =	shalt  }
0x69: {  	_ =	shalt  }
0x6a: {  	_ =	shalt  }
0x6b: {  	_ =	shalt  }
0x6c: {  	_ =	shalt  }
0x6d: {  	_ =	shalt  }
0x6e: {  	_ =	shalt  }
0x6f: {  	_ =	shalt  }
0x70: {  	_ =	shalt  }
0x71: {  	_ =	shalt  }
0x72: {  	_ =	shalt  }
0x73: {  	_ =	shalt  }
0x74: {  	_ =	shalt  }
0x75: {  	_ =	shalt  }
0x76: {  	_ =	shalt  }
0x77: {  	_ =	shalt  }
0x78: {  	_ =	shalt  }
0x79: {  	_ =	shalt  }
0x7a: {  	_ =	shalt  }
0x7b: {  	_ =	shalt  }
0x7c: {  	_ =	shalt  }
0x7d: {  	_ =	shalt  }
0x7e: {  	_ =	shalt  }
0x7f: {  	_ =	shalt  }
0x80: {  	_ =	shalt  }
0x81: {  	_ =	shalt  }
0x82: {  	_ =	shalt  }
0x83: {  	_ =	shalt  }
0x84: {  	_ =	shalt  }
0x85: {  	_ =	shalt  }
0x86: {  	_ =	shalt  }
0x87: {  	_ =	shalt  }
.Lfunc_end0:
.L_simem_size_0:
called_computation_lowered:
.L_overlay_start_0:
0x88: {  	s2 =	sld [smem:$0x3FD9]  }
0x89: {  	s3 =	sld [smem:$0x3FFE];
	_ =	sdelay $0x1  }
0x8a: {  	s1 =	srdreg.scid  }
0x8b: {  	s0 =	sand.u32 $0x1, s1  }
0x8c: {  	s18 =	sshll.u32 s0, $0xA;
	s2 =	sadd.s32 s3, s2  }
0x8d: {  	s2 =	sadd.s32 s2, s18  }
0x8e: {  	[smem:$0x3FC6] =	sst s2  }
0x8f: {  	_ = 	snop  }
0x90: {  	s2 =	sld [smem:$0x3FC9]  }
0x91: {  	s19 =	sld [smem:$0x3FC8]  }
0x92: {  	s4 =	sld [smem:$0x3FD0];
	(tm) =	ssettm $0x1  }
0x93: {  	s5 =	sld [smem:$0x3FFB];
	_ =	sdelay $0x3  }
0x94: {  	_ =	strace s5  }
0x95: {  	s5 =	sld [smem:$0x3FFC];
	_ =	sdelay $0x3  }
0x96: {  	_ =	strace s5  }
0x97: {  	s5 =	sld [smem:$0x3FFD];
	_ =	sdelay $0x3  }
0x98: {  	_ =	strace s5  }
0x99: {  	_ =	strace $0x8FFFFFFF  }
0x9a: {  	s20 =	sld [smem:$0x3FDB];
	_ =	sdelay $0x1  }
0x9b: {  	s6 =	simm.s32 $_scs_section_size  }
0x9c: {  	s7 =	simm.s32 $_size__tile_overlayer_lowered;
	s8 =	simm.s32 $_tile_overlayer_lowered  }
0x9d: {  	s23 =	simm.s32 $0x1BFF;
	s22 =	sshll.u32 s8, $0x1;
	s5 =	sadd.s32 s6, s20  }
0x9e: {  	s9 =	simm.s32 $0x0;
	s21 =	sshll.u32 s7, $0x1;
	s7 =	sadd.s32 s22, s5  }
0x9f: {  	[timem:s9], [sflag:s23] =	dma.local [hbm:s7], s21  }
0xa0: {  	_ =	swait.ge [sflag:s23], s21  }
0xa1: {  	s6 =	ssub.s32 $0x0, s21;
	[sflag:s23] =	ssyncset.done $0x0  }
0xa2: {  	[sflag:s23] =	ssyncadd.s32 s6;
	_ =	sdelay $0x1  }
0xa3: {  	s24 =	simm.s32 $0x1B8B  }
0xa4: {  	_ =	swait.ge [sflag:s24], $0x1  }
0xa5: {  	[sflag:s24] =	ssyncset.done $0x0  }
0xa6: {  	s25 =	simm.s32 $0x1B8E;
	[sflag:s24] =	ssyncadd.s32 $0xFFFFFFFF  }
0xa7: {  	s26 =	simm.s32 $execute0_lowered;
	[smem:$0x3FD2] =	sst s25  }
0xa8: {  	s6 =	sshll.u32 s26, $0x1;
	_ =	strace $0x80000046;
	[dreg:$0x1] =	wrdreg $0xFFFFFFFF  }
0xa9: {  	s28 =	simm.s32 $_size_execute0_lowered;
	s5 =	sadd.s32 s5, s6;
	[dreg:$0x0] =	wrdreg $0x0  }
0xaa: {  	s6 =	sshll.u32 s28, $0x1;
	[dreg:$0x2] =	wrdreg s5  }
0xab: {  	[dreg:$0x3] =	wrdreg s6  }
0xac: {  	[dreg:$0x4] =	wrdreg $0xC0  }
0xad: {  	_ =	task [dreg:s9], $0x5FFFF  }
0xae: {  	[dreg:$0x1] =	wrdreg $0xFFFFFFFF  }
0xaf: {  	[dreg:$0x0] =	wrdreg $0x60  }
0xb0: {  	[dreg:$0x2] =	wrdreg s2  }
0xb1: {  	[dreg:$0x3] =	wrdreg s19  }
0xb2: {  	[dreg:$0x4] =	wrdreg s4  }
0xb3: {  	[dreg:$0x5] =	wrdreg $0x9  }
0xb4: {  	_ =	task.clear_ibuf [dreg:s9], $0x6FFFF;
	_ =	strace $0x90000046  }
0xb5: {  	s29 =	simm.s32 $0x9;
	_ =	strace $0x8000004F  }
0xb6: {  	_ =	swait.ge [sflag:s29], $0x1  }
0xb7: {  	[sflag:s29] =	ssyncadd.s32 $0xFFFFFFFF  }
0xb8: {  	_ =	strace $0x9000004F  }
0xb9: {  	_ =	sfence  }
0xba: {  	s30 =	sld [smem:$0x0];
	_ =	sdelay $0x2  }
0xbb: {  	s31 =	sshll.u32 s1, $0xD;
	s1 =	sshrl.u32 s1, $0x2  }
0xbc: {  	s3 =	sand.u32 $0x4000, s31;
	s1 =	sadd.s32 s1, s30  }
0xbd: {  	s0 =	sor.u32 s3, s0;
	s1 =	sshll.u32 s1, $0x11  }
0xbe: {  	s0 =	sor.u32 s1, s0  }
0xbf: {  	s0 =	sadd.s32 $0x8F2B, s0  }
0xc0: {  	[sflag:s0] =	ssyncadd.remote.s32 $0x1  }
0xc1: {  	_ =	sfence.sel $0xFFFF  }
0xc2: {  	[dreg:$0x0] =	wrdreg $0xFFFFFFFF;
	(pc) =	sbr.abs _section_cstart, $3  }
0xc3: {  	[dreg:$0x1] =	wrdreg $0xFFFFFFFF  }
0xc4: {  	_ =	task.clear_ibuf [dreg:s9], $0x2FFFF;
	_ =	strace $0x9FFFFFFF  }
0xc5: {  	(tm) =	ssettm $0x7FFFFFFF  }
tec
execute0_lowered:
.L_overlay_start_1:
0x0: {  	(tag) =	ssettag $0x1  }
0x1: {  	s1 =	rddreg [dreg:$0x0]  }
0x2: {  	s3 =	rddreg [dreg:$0x2];
	s5 =	simm.s32 $0x0  }
0x3: {  	s0 =	srdreg.scid;
	s6 =	stileid.u32;
	s9 =	simm.s32 $0x80  }
0x4: {  	s10 =	simm.s32 $0x1;
	s11 =	simm.s32 $0x4;
	s0 =	sand.u32 $0x1, s0  }
0x5: {  	s12 =	simm.s32 $0x0;
	s2 =	ssub.s32 $0x2, s0;
	s0 =	sshll.u32 s0, $0x4  }
0x6: {  	[smem:$0x7FF] =	sst s5;
	s4 =	sshrl.u32 s2, $0x1;
	s0 =	sor.u32 s6, s0  }
0x7: {  	s2 =	ssub.s32 s2, s4;
	s6 =	sshll.u32 s0, $0x3;
	s0 =	sshll.u32 s0, $0xE  }
0x8: {  	_ =	strace $0x80000047;
	s7 =	sadd.s32 s1, s0;
	s8 =	smax.u32 s2, $0x1  }
.LBB2_1:
0x9: {  	s0 =	rddreg [dreg:$0x1]  }
0xa: {  	[tilespmem:s5], [sflag:$0x1] =	stream.linear.gather [hbm4b:s0+s5], $0x80, $0x38;
	[tilespmem:$0x10080] =	vst v63  }
0xb: {  	_ =	swait.ge [sflag:s10], $0x80  }
0xc: {  	[sflag:s10] =	ssyncset.done $0x0  }
0xd: {  	s13 =	simm.s32 $0x0;
	s14 =	simm.s32 $0x0;
	[sflag:s10] =	ssyncadd.s32 $0xFFFFFF80  }
0xe: {  	s15 =	simm.s32 $0x0;
	s16 =	simm.s32 $0x0;
	_ =	strace $0x80000048  }
0xf: {  	[tilespmem:s9], [sflag:$0x1] =	stream.linear.gather [hbm4b:s7+s5], $0x4000, $0x200038;
	[tilespmem:$0x10080] =	vst v63  }
0x10: {  	s17 =	simm.s32 $0x1;
	s18 =	simm.s32 $0x0;
	_ =	strace $0x90000048  }
.LBB2_2:
0x11: {  	s0 =	smov.u32 s13;
	s13 =	sadd.s32 $0x1, s13  }
0x12: {  	p0 =	seq.s32 s13, $0x8  }
0x13: {  	s13 =	simm.s32 @p0 $0x0  }
0x14: {  	p6 =	sne.s32 s18, $0x7;
	p1 =	sne.s32 s0, s13  }
0x15: {  	p0 =	por !p6, !p1  }
0x16: {  	p0 =	por !p0, !p0  }
0x17: {  	s4 =	sadd.s32 @p0 s6, s13  }
0x18: {  	s2 =	sand.u32 @p0 $0x1, s17;
	_ =	strace @p0 $0x80000049;
	s4 =	sshll.u32 @p0 s4, $0xB  }
0x19: {  	s20 =	simm.s32 @p0 $0x0;
	s19 =	sshll.u32 @p0 s2, $0xE;
	s4 =	sand.u32 @p0 $0x1FFFF800, s4  }
0x1a: {  	s2 =	sadd.s32 @p0 $0x1, s2;
	s19 =	sor.u32 @p0 $0x80, s19;
	s4 =	sadd.s32 @p0 s1, s4  }
0x1b: {  	[tilespmem:s19], [sflag:s2] =	stream.linear.gather @p0 [hbm4b:s4+s20], $0x4000, $0x200038;
	[tilespmem:$0x10080] =	vst v63  }
0x1c: {  	s26 =	sand.u32 $0x1, s16;
	s29 =	simm.s32 $0x0;
	_ =	strace @p0 $0x90000049  }
0x1d: {  	s28 =	simm.s32 $0x0;
	s30 =	sadd.s32 $0x1, s26;
	_ =	strace $0x8000004A  }
0x1e: {  	s20 =	sadd.s32 s6, s0;
	s19 =	sand.u32 $0x1, s15;
	_ =	swait.ge [sflag:s30], $0x4000  }
0x1f: {  	s2 =	sshll.u32 s26, $0xE;
	s26 =	simm.s32 $0x0;
	[sflag:s30] =	ssyncset.done $0x0  }
0x20: {  	s31 =	sshll.u32 s19, $0xE;
	s22 =	sor.u32 $0xC0, s2;
	[sflag:s30] =	ssyncadd.s32 $0xFFFFC000  }
0x21: {  	s24 =	sor.u32 $0x170, s2;
	s21 =	sor.u32 $0x8080, s31;
	_ =	strace $0x9000004A  }
0x22: {  	s23 =	sor.u32 $0x80C0, s31;
	s25 =	sor.u32 $0x8170, s31;
	_ =	strace $0x8000004B  }
.LBB2_3:
0x23: {  	s0 =	sshll.u32 s28, $0x2;
	s2 =	sand.u32 $0x3, s26  }
0x24: {  	s0 =	sand.u32 $0xFFFFC000, s0;
	s2 =	sshll.u32 s2, $0xA  }
0x25: {  	s0 =	sor.u32 s2, s0  }
0x26: {  	s30 =	sshrl.u32 s0, $0x2  }
0x27: {  	s0 =	sadd.s32 s30, s22  }
0x28: {  	v0 =	vld [tilespmem:s0+$0x30]  }
0x29: {  	v1 =	vld [tilespmem:s0+$0xFFFFFFD0]  }
0x2a: {  	v2 =	vld [tilespmem:s0+$0xFFFFFFE0]  }
0x2b: {  	v3 =	vld [tilespmem:s0+$0xFFFFFFF0]  }
0x2c: {  	v4 =	vld [tilespmem:s0+$0x0]  }
0x2d: {  	v5 =	vld [tilespmem:s0+$0x10]  }
0x2e: {  	v6 =	vld [tilespmem:s0+$0x20]  }
0x2f: {  	v7 =	vld [tilespmem:s0+$0xFFFFFFC0];
	s2 =	sadd.s32 $0x400, s0  }
0x30: {  	v8 =	vld [tilespmem:s2+$0x30]  }
0x31: {  	v9 =	vld [tilespmem:s2+$0xFFFFFFD0];
	vm0 =	vgt.s32 v0, $0x0  }
0x32: {  	v10 =	vld [tilespmem:s2+$0xFFFFFFE0];
	vm1 =	vgt.s32 v1, $0x0;
	v0 =	vnsel vm0, $0x0, v0  }
0x33: {  	v11 =	vld [tilespmem:s2+$0xFFFFFFF0];
	vm14 =	vgt.s32 v2, $0x0;
	v1 =	vnsel vm1, $0x0, v1;
	v0 =	vmin.u32 v0, $0x50  }
0x34: {  	v12 =	vld [tilespmem:s2+$0x0];
	vm15 =	vgt.s32 v3, $0x0;
	v2 =	vnsel vm14, $0x0, v2;
	v1 =	vmin.u32 v1, $0x50  }
0x35: {  	v13 =	vld [tilespmem:s2+$0x10];
	vm4 =	vgt.s32 v7, $0x0;
	v3 =	vnsel vm15, $0x0, v3;
	v2 =	vmin.u32 v2, $0x50  }
0x36: {  	v14 =	vld [tilespmem:s2+$0x20];
	vm5 =	vgt.s32 v4, $0x0;
	v7 =	vnsel vm4, $0x0, v7;
	v3 =	vmin.u32 v3, $0x50  }
0x37: {  	v15 =	vld [tilespmem:s2+$0xFFFFFFC0];
	v4 =	vnsel vm5, $0x0, v4;
	vm9 =	vgt.s32 v9, $0x0;
	v7 =	vmin.u32 v7, $0x50  }
0x38: {  	vm6 =	vgt.s32 v5, $0x0;
	v4 =	vmin.u32 v4, $0x50;
	v9 =	vnsel vm9, $0x0, v9;
	v0 =	vld.idx.msk [tilespmem:v0+s5+$0x0], $0xffff  }
0x39: {  	vm7 =	vgt.s32 v6, $0x0;
	v5 =	vnsel vm6, $0x0, v5;
	v9 =	vmin.u32 v9, $0x50;
	v1 =	vld.idx.msk [tilespmem:v1+s5+$0x0], $0xffff  }
0x3a: {  	v6 =	vnsel vm7, $0x0, v6;
	vm8 =	vgt.s32 v8, $0x0;
	v5 =	vmin.u32 v5, $0x50;
	v2 =	vld.idx.msk [tilespmem:v2+s5+$0x0], $0xffff  }
0x3b: {  	vm10 =	vgt.s32 v10, $0x0;
	v6 =	vmin.u32 v6, $0x50;
	v8 =	vnsel vm8, $0x0, v8;
	v3 =	vld.idx.msk [tilespmem:v3+s5+$0x0], $0xffff  }
0x3c: {  	vm11 =	vgt.s32 v11, $0x0;
	v10 =	vnsel vm10, $0x0, v10;
	v8 =	vmin.u32 v8, $0x50;
	v7 =	vld.idx.msk [tilespmem:v7+s5+$0x0], $0xffff  }
0x3d: {  	s31 =	sadd.s32 s30, s23;
	v11 =	vnsel vm11, $0x0, v11;
	v10 =	vmin.u32 v10, $0x50;
	v16 =	vld.idx.msk [tilespmem:v4+s5+$0x0], $0xffff  }
0x3e: {  	v11 =	vmin.u32 v11, $0x50;
	v4 =	vld.idx.msk [tilespmem:v9+s5+$0x0], $0xffff;
	[tilespmem:s31+$0x30] =	vst v0  }
0x3f: {  	v0 =	vld.idx.msk [tilespmem:v5+s5+$0x0], $0xffff;
	[tilespmem:s31+$0xFFFFFFD0] =	vst v1  }
0x40: {  	vm12 =	vgt.s32 v12, $0x0;
	vm13 =	vgt.s32 v13, $0x0;
	vm15 =	vgt.s32 v15, $0x0;
	v1 =	vld.idx.msk [tilespmem:v6+s5+$0x0], $0xffff;
	[tilespmem:s31+$0xFFFFFFE0] =	vst v2  }
0x41: {  	vm14 =	vgt.s32 v14, $0x0;
	v63 =	vnsel vm15, $0x0, v15;
	v5 =	vnsel vm12, $0x0, v12;
	v2 =	vld.idx.msk [tilespmem:v8+s5+$0x0], $0xffff;
	[tilespmem:s31+$0xFFFFFFF0] =	vst v3  }
0x42: {  	s4 =	simm.s32 $0x80;
	v9 =	vnsel vm14, $0x0, v14;
	v6 =	vnsel vm13, $0x0, v13;
	[tilespmem:s31+$0xFFFFFFC0] =	vst v7;
	v3 =	vmin.u32 v5, $0x50;
	v5 =	vld.idx.msk [tilespmem:v10+s5+$0x0], $0xffff  }
0x43: {  	s0 =	sadd.s32 s30, s24;
	s30 =	sadd.s32 s30, s25;
	s2 =	sadd.s32 $0x400, s2;
	v7 =	vmin.u32 v9, $0x50;
	v9 =	vmin.u32 v63, $0x50;
	[tilespmem:s31+$0x0] =	vst v16;
	v8 =	vmin.u32 v6, $0x50;
	v6 =	vld.idx.msk [tilespmem:v11+s5+$0x0], $0xffff  }
.LBB2_4:
0x44: {  	v10 =	vld [tilespmem:s2+$0x30];
	s4 =	sadd.s32 $0x80, s4;
	[tilespmem:s31+$0x10] =	vst v0  }
0x45: {  	v0 =	vld [tilespmem:s2+$0xFFFFFFD0];
	p2 =	slt.u32 s4, $0x180;
	[tilespmem:s31+$0x20] =	vst v1;
	s31 =	sadd.s32 $0x400, s31  }
0x46: {  	v1 =	vld [tilespmem:s2+$0xFFFFFFE0];
	[tilespmem:s31+$0x30] =	vst v2  }
0x47: {  	v2 =	vld [tilespmem:s2+$0xFFFFFFF0];
	[tilespmem:s31+$0xFFFFFFD0] =	vst v4  }
0x48: {  	v4 =	vld [tilespmem:s2+$0x0];
	[tilespmem:s31+$0xFFFFFFE0] =	vst v5  }
0x49: {  	v5 =	vld [tilespmem:s2+$0x10];
	vm0 =	vgt.s32 v10, $0x0;
	[tilespmem:s31+$0xFFFFFFF0] =	vst v6  }
0x4a: {  	vm1 =	vgt.s32 v0, $0x0;
	v6 =	vld [tilespmem:s2+$0x20];
	v10 =	vnsel vm0, $0x0, v10  }
0x4b: {  	v11 =	vld [tilespmem:s2+$0xFFFFFFC0];
	v0 =	vnsel vm1, $0x0, v0;
	vm0 =	vgt.s32 v1, $0x0;
	v10 =	vmin.u32 v10, $0x50  }
0x4c: {  	v12 =	vmin.u32 v0, $0x50;
	v0 =	vnsel vm0, $0x0, v1;
	vm0 =	vgt.s32 v2, $0x0;
	v13 =	vld.idx.msk [tilespmem:v9+s5+$0x0], $0xffff  }
0x4d: {  	v14 =	vmin.u32 v0, $0x50;
	v0 =	vnsel vm0, $0x0, v2;
	vm0 =	vgt.s32 v4, $0x0;
	v15 =	vld.idx.msk [tilespmem:v3+s5+$0x0], $0xffff  }
0x4e: {  	v16 =	vmin.u32 v0, $0x50;
	v1 =	vnsel vm0, $0x0, v4;
	vm0 =	vgt.s32 v5, $0x0;
	v0 =	vld.idx.msk [tilespmem:v8+s5+$0x0], $0xffff  }
.Ltmp0:
0x4f: {  	v3 =	vmin.u32 v1, $0x50;
	v2 =	vnsel vm0, $0x0, v5;
	vm0 =	vgt.s32 v6, $0x0;
	v1 =	vld.idx.msk [tilespmem:v7+s5+$0x0], $0xffff;
	(pc) =	sbr.rel @p2 .LBB2_4-.Ltmp0, $4  }
0x50: {  	vm1 =	vgt.s32 v11, $0x0;
	v8 =	vmin.u32 v2, $0x50;
	v5 =	vnsel vm0, $0x0, v6;
	v2 =	vld.idx.msk [tilespmem:v10+s5+$0x0], $0xffff  }
0x51: {  	v6 =	vnsel vm1, $0x0, v11;
	v4 =	vld.idx.msk [tilespmem:v12+s5+$0x0], $0xffff;
	v7 =	vmin.u32 v5, $0x50  }
0x52: {  	v9 =	vmin.u32 v6, $0x50;
	v5 =	vld.idx.msk [tilespmem:v14+s5+$0x0], $0xffff;
	[tilespmem:s31+$0xFFFFFFC0] =	vst v13  }
0x53: {  	s2 =	sadd.s32 $0x400, s2;
	v6 =	vld.idx.msk [tilespmem:v16+s5+$0x0], $0xffff;
	[tilespmem:s31+$0x0] =	vst v15  }
0x54: {  	v10 =	vld [tilespmem:s0+$0x0]  }
0x55: {  	v11 =	vld [tilespmem:s0+$0xFFFFFFA0]  }
0x56: {  	v12 =	vld [tilespmem:s0+$0xFFFFFFB0]  }
0x57: {  	v13 =	vld [tilespmem:s0+$0xFFFFFFC0]  }
0x58: {  	v9 =	vld.idx.msk [tilespmem:v9+s5+$0x0], $0xffff  }
0x59: {  	v3 =	vld.idx.msk [tilespmem:v3+s5+$0x0], $0xffff  }
0x5a: {  	v8 =	vld.idx.msk [tilespmem:v8+s5+$0x0], $0xffff  }
0x5b: {  	v7 =	vld.idx.msk [tilespmem:v7+s5+$0x0], $0xffff  }
0x5c: {  	v14 =	vld [tilespmem:s0+$0xFFFFFFD0]  }
0x5d: {  	v15 =	vld [tilespmem:s0+$0xFFFFFFE0]  }
0x5e: {  	v16 =	vld [tilespmem:s0+$0xFFFFFFF0]  }
0x5f: {  	v17 =	vld [tilespmem:s0+$0xFFFFFF90];
	s2 =	sadd.s32 $0x400, s0  }
0x60: {  	[tilespmem:s31+$0x10] =	vst v0;
	v0 =	vld [tilespmem:s2+$0x0]  }
0x61: {  	[tilespmem:s31+$0x20] =	vst v1;
	v1 =	vld [tilespmem:s2+$0xFFFFFFA0];
	vm0 =	vgt.s32 v10, $0x0  }
0x62: {  	v59 =	vld [tilespmem:s2+$0xFFFFFFB0];
	vm1 =	vgt.s32 v11, $0x0;
	v10 =	vnsel vm0, $0x0, v10  }
0x63: {  	v60 =	vld [tilespmem:s2+$0xFFFFFFC0];
	vm14 =	vgt.s32 v12, $0x0;
	v11 =	vnsel vm1, $0x0, v11;
	v10 =	vmin.u32 v10, $0x50  }
0x64: {  	s31 =	sadd.s32 $0x400, s31;
	v61 =	vld [tilespmem:s2+$0xFFFFFFD0];
	vm15 =	vgt.s32 v13, $0x0;
	v12 =	vnsel vm14, $0x0, v12;
	v11 =	vmin.u32 v11, $0x50  }
0x65: {  	[tilespmem:s31+$0x30] =	vst v2;
	v62 =	vld [tilespmem:s2+$0xFFFFFFE0];
	vm4 =	vgt.s32 v17, $0x0;
	v13 =	vnsel vm15, $0x0, v13;
	v12 =	vmin.u32 v12, $0x50  }
0x66: {  	v18 =	vld [tilespmem:s2+$0xFFFFFF90];
	[tilespmem:s31+$0xFFFFFFD0] =	vst v4;
	vm5 =	vgt.s32 v14, $0x0;
	v2 =	vnsel vm4, $0x0, v17;
	v13 =	vmin.u32 v13, $0x50  }
0x67: {  	vm6 =	vgt.s32 v15, $0x0;
	[tilespmem:s31+$0xFFFFFFC0] =	vst v9;
	v9 =	vld [tilespmem:s2+$0xFFFFFFF0];
	v4 =	vnsel vm5, $0x0, v14;
	v2 =	vmin.u32 v2, $0x50  }
0x68: {  	[tilespmem:s31+$0xFFFFFFE0] =	vst v5;
	vm7 =	vgt.s32 v16, $0x0;
	v5 =	vnsel vm6, $0x0, v15;
	v4 =	vmin.u32 v4, $0x50;
	v10 =	vld.idx.msk [tilespmem:v10+s5+$0x0], $0xffff  }
0x69: {  	[tilespmem:s31+$0xFFFFFFF0] =	vst v6;
	v6 =	vnsel vm7, $0x0, v16;
	vm8 =	vgt.s32 v0, $0x0;
	v5 =	vmin.u32 v5, $0x50;
	v11 =	vld.idx.msk [tilespmem:v11+s5+$0x0], $0xffff  }
0x6a: {  	vm10 =	vgt.s32 v59, $0x0;
	v6 =	vmin.u32 v6, $0x50;
	v0 =	vnsel vm8, $0x0, v0;
	v12 =	vld.idx.msk [tilespmem:v12+s5+$0x0], $0xffff  }
0x6b: {  	[tilespmem:s31+$0x0] =	vst v3;
	vm9 =	vgt.s32 v1, $0x0;
	v3 =	vnsel vm10, $0x0, v59;
	v0 =	vmin.u32 v0, $0x50;
	v13 =	vld.idx.msk [tilespmem:v13+s5+$0x0], $0xffff  }
0x6c: {  	[tilespmem:s31+$0x10] =	vst v8;
	vm11 =	vgt.s32 v60, $0x0;
	v1 =	vnsel vm9, $0x0, v1;
	v8 =	vmin.u32 v3, $0x50;
	v2 =	vld.idx.msk [tilespmem:v2+s5+$0x0], $0xffff  }
0x6d: {  	[tilespmem:s31+$0x20] =	vst v7;
	v7 =	vnsel vm11, $0x0, v60;
	v1 =	vmin.u32 v1, $0x50;
	v63 =	vld.idx.msk [tilespmem:v4+s5+$0x0], $0xffff  }
0x6e: {  	v3 =	vld.idx.msk [tilespmem:v5+s5+$0x0], $0xffff;
	[tilespmem:s30+$0x0] =	vst v10;
	v10 =	vmin.u32 v7, $0x50  }
0x6f: {  	vm12 =	vgt.s32 v61, $0x0;
	v5 =	vld.idx.msk [tilespmem:v6+s5+$0x0], $0xffff;
	[tilespmem:s30+$0xFFFFFFA0] =	vst v11  }
0x70: {  	vm13 =	vgt.s32 v62, $0x0;
	v4 =	vnsel vm12, $0x0, v61;
	v6 =	vld.idx.msk [tilespmem:v0+s5+$0x0], $0xffff;
	[tilespmem:s30+$0xFFFFFFB0] =	vst v12  }
0x71: {  	vm15 =	vgt.s32 v18, $0x0;
	vm14 =	vgt.s32 v9, $0x0;
	v0 =	vmin.u32 v4, $0x50;
	v8 =	vld.idx.msk [tilespmem:v8+s5+$0x0], $0xffff;
	[tilespmem:s30+$0xFFFFFFC0] =	vst v13  }
0x72: {  	v4 =	vnsel vm14, $0x0, v9;
	v9 =	vnsel vm15, $0x0, v18;
	v11 =	vnsel vm13, $0x0, v62;
	v7 =	vld.idx.msk [tilespmem:v1+s5+$0x0], $0xffff;
	[tilespmem:s30+$0xFFFFFF90] =	vst v2  }
0x73: {  	s0 =	simm.s32 $0x80;
	s2 =	sadd.s32 $0x400, s2;
	v2 =	vmin.u32 v4, $0x50;
	v4 =	vmin.u32 v9, $0x50;
	[tilespmem:s30+$0xFFFFFFD0] =	vst v63;
	v1 =	vmin.u32 v11, $0x50;
	v9 =	vld.idx.msk [tilespmem:v10+s5+$0x0], $0xffff  }
.LBB2_6:
0x74: {  	v10 =	vld [tilespmem:s2+$0x0];
	s0 =	sadd.s32 $0x80, s0;
	[tilespmem:s30+$0xFFFFFFE0] =	vst v3  }
0x75: {  	v3 =	vld [tilespmem:s2+$0xFFFFFFA0];
	p2 =	slt.u32 s0, $0x180;
	[tilespmem:s30+$0xFFFFFFF0] =	vst v5;
	s30 =	sadd.s32 $0x400, s30  }
0x76: {  	v5 =	vld [tilespmem:s2+$0xFFFFFFB0];
	[tilespmem:s30+$0x0] =	vst v6  }
0x77: {  	v6 =	vld [tilespmem:s2+$0xFFFFFFC0];
	[tilespmem:s30+$0xFFFFFFA0] =	vst v7  }
0x78: {  	v7 =	vld [tilespmem:s2+$0xFFFFFFD0];
	[tilespmem:s30+$0xFFFFFFB0] =	vst v8  }
0x79: {  	v8 =	vld [tilespmem:s2+$0xFFFFFFE0];
	vm0 =	vgt.s32 v10, $0x0;
	[tilespmem:s30+$0xFFFFFFC0] =	vst v9  }
0x7a: {  	vm1 =	vgt.s32 v3, $0x0;
	v9 =	vld [tilespmem:s2+$0xFFFFFFF0];
	v10 =	vnsel vm0, $0x0, v10  }
0x7b: {  	v11 =	vld [tilespmem:s2+$0xFFFFFF90];
	v3 =	vnsel vm1, $0x0, v3;
	vm0 =	vgt.s32 v5, $0x0;
	v10 =	vmin.u32 v10, $0x50  }
0x7c: {  	v12 =	vmin.u32 v3, $0x50;
	v3 =	vnsel vm0, $0x0, v5;
	vm0 =	vgt.s32 v6, $0x0;
	v13 =	vld.idx.msk [tilespmem:v4+s5+$0x0], $0xffff  }
0x7d: {  	v14 =	vmin.u32 v3, $0x50;
	v3 =	vnsel vm0, $0x0, v6;
	vm0 =	vgt.s32 v7, $0x0;
	v15 =	vld.idx.msk [tilespmem:v0+s5+$0x0], $0xffff  }
0x7e: {  	v16 =	vmin.u32 v3, $0x50;
	v0 =	vnsel vm0, $0x0, v7;
	vm0 =	vgt.s32 v8, $0x0;
	v3 =	vld.idx.msk [tilespmem:v1+s5+$0x0], $0xffff  }
.Ltmp1:
0x7f: {  	v0 =	vmin.u32 v0, $0x50;
	v1 =	vnsel vm0, $0x0, v8;
	vm0 =	vgt.s32 v9, $0x0;
	v5 =	vld.idx.msk [tilespmem:v2+s5+$0x0], $0xffff;
	(pc) =	sbr.rel @p2 .LBB2_6-.Ltmp1, $4  }
0x80: {  	vm1 =	vgt.s32 v11, $0x0;
	v1 =	vmin.u32 v1, $0x50;
	v2 =	vnsel vm0, $0x0, v9;
	v6 =	vld.idx.msk [tilespmem:v10+s5+$0x0], $0xffff  }
0x81: {  	v4 =	vnsel vm1, $0x0, v11;
	v7 =	vld.idx.msk [tilespmem:v12+s5+$0x0], $0xffff;
	v2 =	vmin.u32 v2, $0x50  }
0x82: {  	v4 =	vmin.u32 v4, $0x50;
	v8 =	vld.idx.msk [tilespmem:v14+s5+$0x0], $0xffff;
	[tilespmem:s30+$0xFFFFFF90] =	vst v13  }
0x83: {  	s2 =	sadd.s32 $0x400, s2;
	v9 =	vld.idx.msk [tilespmem:v16+s5+$0x0], $0xffff;
	[tilespmem:s30+$0xFFFFFFD0] =	vst v15  }
0x84: {  	_ =	sdelay $0x2  }
0x85: {  	[tilespmem:s30+$0xFFFFFFE0] =	vst v3  }
0x86: {  	[tilespmem:s30+$0xFFFFFFF0] =	vst v5;
	s0 =	sadd.s32 $0x400, s30;
	v63 =	vld.idx.msk [tilespmem:v4+s5+$0x0], $0xffff  }
0x87: {  	v0 =	vld.idx.msk [tilespmem:v0+s5+$0x0], $0xffff;
	[tilespmem:s0+$0x0] =	vst v6  }
0x88: {  	v1 =	vld.idx.msk [tilespmem:v1+s5+$0x0], $0xffff;
	[tilespmem:s0+$0xFFFFFFA0] =	vst v7  }
0x89: {  	v2 =	vld.idx.msk [tilespmem:v2+s5+$0x0], $0xffff;
	p2 =	slt.u32 s29, $0x1E;
	[tilespmem:s0+$0xFFFFFFB0] =	vst v8  }
.Ltmp2:
0x8a: {  	[tilespmem:s0+$0xFFFFFFC0] =	vst v9;
	(pc) =	sbr.rel @p2 .LBB2_3-.Ltmp2, $4  }
0x8b: {  	[tilespmem:s0+$0xFFFFFF90] =	vst v63  }
0x8c: {  	[tilespmem:s0+$0xFFFFFFD0] =	vst v0  }
0x8d: {  	[tilespmem:s0+$0xFFFFFFE0] =	vst v1  }
0x8e: {  	s29 =	sadd.s32 $0x2, s29;
	s28 =	sadd.s32 $0x400, s28;
	s26 =	sadd.s32 $0x1, s26;
	[tilespmem:s0+$0xFFFFFFF0] =	vst v2  }
0x8f: {  	p2 =	seq.s32 s18, $0x7  }
0x90: {  	p1 =	por p2, p1  }
0x91: {  	_ =	strace $0x9000004B;
	s0 =	sshll.u32 @p1 s20, $0xB  }
0x92: {  	_ =	strace @p1 $0x8000004C;
	s0 =	sand.u32 @p1 $0x1FFFF800, s0  }
0x93: {  	s2 =	sadd.s32 @p1 $0x3, s19;
	s4 =	simm.s32 @p1 $0x0;
	s0 =	sadd.s32 @p1 s3, s0  }
0x94: {  	[hbm4b:s0+s4] =	stream.linear.scatter @p1 [tilespmem:s21], [sflag:s2], $0x4000, $0x200038;
	[tilespmem:$0x10080] =	vst v63  }
0x95: {  	s0 =	simm.s32 $0x1  }
0x96: {  	s4 =	simm.s32 $0x1;
	s0 =	simm.s32 @!p0 $0x0;
	p0 =	seq.s32 s18, $0x0  }
0x97: {  	_ =	strace @p1 $0x9000004C;
	s17 =	sadd.s32 s0, s17;
	s0 =	simm.s32 $0x1  }
0x98: {  	s0 =	simm.s32 @!p1 $0x0;
	p1 =	sne.s32 s18, $0x0;
	s18 =	sadd.s32 $0x1, s18  }
0x99: {  	s2 =	sand.u32 @!p0 $0x1, s14;
	s4 =	simm.s32 @!p1 $0x0;
	p1 =	sne.s32 s18, $0x8  }
.Ltmp3:
0x9a: {  	_ =	strace @!p0 $0x8000004D;
	s2 =	sadd.s32 @!p0 $0x3, s2;
	(pc) =	sbr.rel @p1 .LBB2_2-.Ltmp3, $4  }
0x9b: {  	_ =	swait.ge @!p0 [sflag:s2], $0x4000  }
0x9c: {  	[sflag:s2] =	ssyncset.done @!p0 $0x0  }
0x9d: {  	s15 =	sadd.s32 s0, s15;
	[sflag:s2] =	ssyncadd.s32 @!p0 $0xFFFFC000  }
0x9e: {  	s16 =	sadd.s32 s0, s16;
	s14 =	sadd.s32 s4, s14;
	_ =	strace @!p0 $0x9000004D  }
0x9f: {  	s12 =	sadd.s32 $0x1, s12  }
0xa0: {  	p0 =	sne.s32 s12, s8  }
.Ltmp4:
0xa1: {  	_ =	strace $0x8000004E;
	(pc) =	sbr.rel @p0 .LBB2_1-.Ltmp4, $4  }
0xa2: {  	_ =	swait.ge [sflag:s11], $0x4000  }
0xa3: {  	[sflag:s11] =	ssyncset.done $0x0  }
0xa4: {  	[sflag:s11] =	ssyncadd.s32 $0xFFFFC000  }
0xa5: {  	_ =	strace $0x9000004E  }
0xa6: {  	_ =	sfence.sel $0x180000  }
0xa7: {  	[bflag:$0x0] =	sbarrier.arrive $0xFFFF  }
0xa8: {  	_ =	strace $0x90000047  }
0xa9: {  	s0 =	stileid.u32;
	[bflag:$0x2] =	sbarrier.arrive $0xFFFF  }
0xaa: {  	p0 =	sne.s32 s0, $0x0;
	s0 =	rddreg [dreg:$0x3]  }
0xab: {  	s0 =	sadd.s32 @!p0 $0x100000, s0  }
0xac: {  	[sflag:s0] =	ssyncadd.tile.s32 @!p0 $0x1;
	_ =	shalt  }
.Lfunc_end2:
_tile_overlayer_lowered:
.L_overlay_start_2:
0xad: {  	(tag) =	ssettag $0x2  }
0xae: {  	s0 =	rddreg [dreg:$0x0];
	s2 =	stileid.u32  }
0xaf: {  	s1 =	rddreg [dreg:$0x1];
	p0 =	sne.s32 s2, $0x0  }
0xb0: {  	s3 =	rddreg [dreg:$0x2];
	[bflag:$0x3] =	sbarrier.arrive $0xFFFF;
	s2 =	simm.s32 @!p0 $0x1C01  }
0xb1: {  	[timem:s3], [sflag:s2] =	dma.local @!p0 [hbm:s0], s1  }
0xb2: {  	s0 =	simm.s32 @!p0 $0x1  }
0xb3: {  	_ =	swait.ge @!p0 [sflag:s0], s1  }
0xb4: {  	s1 =	ssub.s32 @!p0 $0x0, s1;
	[sflag:s0] =	ssyncset.done @!p0 $0x0  }
0xb5: {  	[sflag:s0] =	ssyncadd.s32 @!p0 s1  }
0xb6: {  	[bflag:$0x3] =	sbarrier.arrive $0xFFFF  }
0xb7: {  	_ =	shalt  }

</sc_bundles>
